<compile_context>
chip_gen: v7x
topology: tpu7x:2x2x1
jax: 0.10.2.dev20260603
libtpu: 0.0.44.dev20260713+nightly
codegen_flags: <defaults>
</compile_context>

<pallas_src>
import functools

import jax
import jax.numpy as jnp
from jax import lax
from jax.experimental import pallas as pl
from jax.experimental.pallas import tpu as pltpu
from jax.experimental.pallas import tpu_sc as plsc

K = 8192
D = 64
N = 8192
TILE_N = 256
N_TILES = N // TILE_N

NC = 2
NS = 16
NW = NC * NS
BPW = N // NW
L = 16


def _argmin_body(z_ref, w_ref, idx_ref, minval_ref, wsq_ref, wbf_ref):
    @pl.when(pl.program_id(0) == 0)
    def _():
        w = w_ref[...]
        wsq_ref[...] = jnp.sum(w * w, axis=1)[None, :]
        wbf_ref[...] = w.astype(jnp.bfloat16)

    f = z_ref[0].T
    fsq = jnp.sum(f * f, axis=1, keepdims=True)
    scores = lax.dot_general(
        f.astype(jnp.bfloat16), wbf_ref[...],
        (((1,), (1,)), ((), ())),
        preferred_element_type=jnp.float32)
    d = (fsq + wsq_ref[...]) - 2.0 * scores
    m = jnp.min(d, axis=1)
    iota = lax.broadcasted_iota(jnp.int32, d.shape, 1)
    idx_ref[0, :] = jnp.min(
        jnp.where(d == m[:, None], iota, jnp.int32(K)), axis=1)
    minval_ref[0, :] = m


_argmin_call = pl.pallas_call(
    _argmin_body,
    grid=(N_TILES,),
    in_specs=[
        pl.BlockSpec((1, D, TILE_N), lambda i: (i // (1024 // TILE_N), 0,
                                                i % (1024 // TILE_N))),
        pl.BlockSpec((K, D), lambda i: (0, 0)),
    ],
    out_specs=[
        pl.BlockSpec((1, TILE_N), lambda i: (0, i)),
        pl.BlockSpec((1, TILE_N), lambda i: (0, i)),
    ],
    out_shape=[
        jax.ShapeDtypeStruct((1, N), jnp.int32),
        jax.ShapeDtypeStruct((1, N), jnp.float32),
    ],
    scratch_shapes=[
        pltpu.VMEM((1, K), jnp.float32),
        pltpu.VMEM((K, D), jnp.bfloat16),
    ],
)


def _sc_gather_body(w_hbm, idx_hbm, zeros_hbm, zq_hbm, counts_hbm,
                    idx_v, rows_v, ones_v, cnt_sh, sem):
    c = lax.axis_index("c")
    s = lax.axis_index("s")
    wid = s * NC + c
    base = wid * BPW

    @pl.when(s == 0)
    def _():
        pltpu.sync_copy(zeros_hbm, cnt_sh)

    for i in range(BPW // L):
        ones_v[pl.ds(i * L, L)] = jnp.ones((L,), jnp.float32)

    pltpu.sync_copy(idx_hbm.at[pl.ds(base, BPW)], idx_v)
    pltpu.async_copy(w_hbm.at[idx_v], rows_v, sem).wait()
    pltpu.sync_copy(rows_v, zq_hbm.at[pl.ds(base, BPW)])

    plsc.subcore_barrier()
    pltpu.sync_copy(ones_v, cnt_sh.at[idx_v], add=True)
    plsc.subcore_barrier()

    @pl.when(s == 0)
    def _():
        pltpu.sync_copy(cnt_sh, counts_hbm.at[c])


@functools.cache
def _sc_gather_call():
    return pl.kernel(
        _sc_gather_body,
        out_type=[
            jax.ShapeDtypeStruct((N, D), jnp.float32),
            jax.ShapeDtypeStruct((NC, K), jnp.float32),
        ],
        mesh=plsc.VectorSubcoreMesh(core_axis_name="c", subcore_axis_name="s",
                                    num_cores=NC, num_subcores=NS),
        scratch_types=[
            pltpu.VMEM((BPW,), jnp.int32),
            pltpu.VMEM((BPW, D), jnp.float32),
            pltpu.VMEM((BPW,), jnp.float32),
            pltpu.VMEM_SHARED((K,), jnp.float32),
            pltpu.SemaphoreType.DMA,
        ],
        compiler_params=pltpu.CompilerParams(use_tc_tiling_on_sc=False),
    )


def _finalize_body(minval_ref, counts_ref, loss_ref, perp_ref):
    mv = minval_ref[...]
    loss_ref[...] = jnp.reshape(jnp.sum(mv) * (1.25 / (N * D)), (1, 1))
    c2 = counts_ref[...]
    p = jnp.sum(c2, axis=0, keepdims=True) * (1.0 / N)
    ent = -jnp.sum(p * jnp.log(p + 1e-10))
    perp_ref[...] = jnp.reshape(jnp.exp(ent), (1, 1))


_finalize_call = pl.pallas_call(
    _finalize_body,
    out_shape=[
        jax.ShapeDtypeStruct((1, 1), jnp.float32),
        jax.ShapeDtypeStruct((1, 1), jnp.float32),
    ],
)


def kernel(z, W):
    B, C, H, Wd = z.shape
    zr = z.reshape(B, C, H * Wd)

    idx2, minval2 = _argmin_call(zr, W)
    idx = idx2.reshape(N)

    zeros = jnp.zeros((K,), jnp.float32)
    z_q, counts = _sc_gather_call()(W, idx, zeros)

    loss11, perp11 = _finalize_call(minval2, counts)

    out = jnp.transpose(z_q.reshape(B, H, Wd, C), (0, 3, 1, 2))
    return (out, loss11[0, 0], idx.reshape(B, H, Wd), perp11[0, 0])

# --- scband reference (transcript-rebuilt; emitter-appended) ---
"""Pipeline reference for scband-stquantize-3204045602890 (READ-ONLY COPY).

The authoritative reference and input builder live on the scoring server;
editing this copy changes nothing except your own understanding.
"""

import jax, jax.numpy as jnp
import numpy as np

K = 8192
D = 64

def setup_inputs(seed: int = 0) -> dict:
    key = jax.random.key(seed)
    k1, k2 = jax.random.split(key)
    z = jax.random.normal(k1, (8, 64, 32, 32), dtype=jnp.float32)
    # nn.init.kaiming_uniform_ default: a=0 -> gain=sqrt(2), bound = gain*sqrt(3/fan_in), fan_in = D
    bound = float(np.sqrt(6.0 / D))
    W = jax.random.uniform(k2, (K, D), minval=-bound, maxval=bound, dtype=jnp.float32)
    return {"z": z, "W": W}

def reference(z, W):
    B, C, H, Wd = z.shape
    zt = jnp.transpose(z, (0, 2, 3, 1))  # b c h w -> b h w c
    flat = zt.reshape(-1, C)             # (b h w) c
    dist = (jnp.sum(flat ** 2, axis=1, keepdims=True)
            + jnp.sum(W ** 2, axis=1)
            - 2.0 * flat @ W.T)
    idx = jnp.argmin(dist, axis=1)
    enc = jax.nn.one_hot(idx, W.shape[0], dtype=zt.dtype)
    avg_use = jnp.mean(enc, axis=0)
    perplexity = jnp.exp(-jnp.sum(avg_use * jnp.log(avg_use + 1e-10)))
    z_q = jnp.take(W, idx, axis=0).reshape(zt.shape)
    sg = jax.lax.stop_gradient
    commitment_cost = 0.25
    loss = commitment_cost * jnp.mean((sg(z_q) - zt) ** 2) + jnp.mean((z_q - sg(zt)) ** 2)
    z_q_st = zt + sg(z_q - zt)  # straight-through
    out = jnp.transpose(z_q_st, (0, 3, 1, 2))  # b h w c -> b c h w
    min_encoding_indices = idx.reshape(B, H, Wd)
    return (out, loss, min_encoding_indices, perplexity)

if __name__ == "__main__":
    import jax
    _d = setup_inputs()
    print(jax.jit(kernel)(*tuple(_d.values())))

</pallas_src>

<mosaic_0001>
#map = affine_map<(d0, d1) -> (0, 0)>
#map1 = affine_map<(d0, d1) -> (0)>
module attributes {stable_mosaic.version = 14 : i64} {
  func.func @_sc_gather_body(%arg0: i32, %arg1: i32, %arg2: memref<8192x64xf32, #tpu.memory_space<hbm>>, %arg3: memref<8192xi32, #tpu.memory_space<hbm>>, %arg4: memref<8192xf32, #tpu.memory_space<hbm>>, %arg5: memref<8192x64xf32, #tpu.memory_space<hbm>>, %arg6: memref<2x8192xf32, #tpu.memory_space<hbm>>, %arg7: memref<256xi32, #tpu.memory_space<vmem>>, %arg8: memref<256x64xf32, #tpu.memory_space<vmem>>, %arg9: memref<256xf32, #tpu.memory_space<vmem>>, %arg10: memref<8192xf32, #tpu.memory_space<vmem_shared>>, %arg11: memref<!tpu.dma_semaphore, #tpu.memory_space<semaphore_mem>>) attributes {dimension_semantics = [#tpu.dimension_semantics<core_parallel>, #tpu.dimension_semantics<subcore_parallel>], iteration_bounds = array<i64: 2, 16>, scalar_prefetch = 0 : i64, scratch_operands = 5 : i64, tpu.core_type = #tpu.core_type<sc_vector_subcore>, window_params = [{transform_indices = #map}, {transform_indices = #map1}, {transform_indices = #map1}, {transform_indices = #map}, {transform_indices = #map}]} {
    %mul3A = arith.constant 2 : i32
    %mul3A_0 = arith.muli %arg1, %mul3A : i32
    %add3A = arith.addi %mul3A_0, %arg0 : i32
    %mul3A_1 = arith.constant 256 : i32
    %mul3A_2 = arith.muli %add3A, %mul3A_1 : i32
    %eq3A = arith.constant 0 : i32
    %eq3A_3 = arith.cmpi eq, %arg1, %eq3A : i32
    %convert_element_type3A = arith.extui %eq3A_3 : i1 to i32
    %cond3A = arith.constant 0 : i32
    %cond3A_4 = arith.cmpi ne, %convert_element_type3A, %cond3A : i32
    scf.if %cond3A_4 {
      "tpu.region"() ({
        %run_scoped3A = tpu.sem_alloc : memref<!tpu.dma_semaphore, #tpu.memory_space<semaphore_mem>>
        tpu.enqueue_dma source(%arg4 : memref<8192xf32, #tpu.memory_space<hbm>>) target(%arg10 : memref<8192xf32, #tpu.memory_space<vmem_shared>>) target_semaphore(%run_scoped3A : memref<!tpu.dma_semaphore, #tpu.memory_space<semaphore_mem>>)
        tpu.wait_dma2 semaphore(%run_scoped3A : memref<!tpu.dma_semaphore, #tpu.memory_space<semaphore_mem>>) src(%arg4 : memref<8192xf32, #tpu.memory_space<hbm>>) dst(%arg10 : memref<8192xf32, #tpu.memory_space<vmem_shared>>)
        tpu.yield
      }) : () -> ()
    } else {
    }
    %broadcast_in_dim3A = arith.constant 1.000000e+00 : f32
    %broadcast_in_dim3A_5 = vector.broadcast %broadcast_in_dim3A : f32 to vector<16xf32>
    %swap3A = arith.constant 0 : index
    %swap3A_6 = tpu.vector_load %arg9[%swap3A] {strides = array<i32>} : memref<256xf32, #tpu.memory_space<vmem>>, vector<16xf32>,
    %swap3A_7 = vector.shape_cast %swap3A_6 : vector<16xf32> to vector<16xf32>
    %swap3A_8 = vector.shape_cast %broadcast_in_dim3A_5 : vector<16xf32> to vector<16xf32>
    tpu.vector_store %arg9[%swap3A], %swap3A_8 {strides = array<i32>} : memref<256xf32, #tpu.memory_space<vmem>>, vector<16xf32>,
    %broadcast_in_dim3A_9 = arith.constant 1.000000e+00 : f32
    %broadcast_in_dim3A_10 = vector.broadcast %broadcast_in_dim3A_9 : f32 to vector<16xf32>
    %swap3A_11 = arith.constant 16 : index
    %swap3A_12 = tpu.vector_load %arg9[%swap3A_11] {strides = array<i32>} : memref<256xf32, #tpu.memory_space<vmem>>, vector<16xf32>,
    %swap3A_13 = vector.shape_cast %swap3A_12 : vector<16xf32> to vector<16xf32>
    %swap3A_14 = vector.shape_cast %broadcast_in_dim3A_10 : vector<16xf32> to vector<16xf32>
    tpu.vector_store %arg9[%swap3A_11], %swap3A_14 {strides = array<i32>} : memref<256xf32, #tpu.memory_space<vmem>>, vector<16xf32>,
    %broadcast_in_dim3A_15 = arith.constant 1.000000e+00 : f32
    %broadcast_in_dim3A_16 = vector.broadcast %broadcast_in_dim3A_15 : f32 to vector<16xf32>
    %swap3A_17 = arith.constant 32 : index
    %swap3A_18 = tpu.vector_load %arg9[%swap3A_17] {strides = array<i32>} : memref<256xf32, #tpu.memory_space<vmem>>, vector<16xf32>,
    %swap3A_19 = vector.shape_cast %swap3A_18 : vector<16xf32> to vector<16xf32>
    %swap3A_20 = vector.shape_cast %broadcast_in_dim3A_16 : vector<16xf32> to vector<16xf32>
    tpu.vector_store %arg9[%swap3A_17], %swap3A_20 {strides = array<i32>} : memref<256xf32, #tpu.memory_space<vmem>>, vector<16xf32>,
    %broadcast_in_dim3A_21 = arith.constant 1.000000e+00 : f32
    %broadcast_in_dim3A_22 = vector.broadcast %broadcast_in_dim3A_21 : f32 to vector<16xf32>
    %swap3A_23 = arith.constant 48 : index
    %swap3A_24 = tpu.vector_load %arg9[%swap3A_23] {strides = array<i32>} : memref<256xf32, #tpu.memory_space<vmem>>, vector<16xf32>,
    %swap3A_25 = vector.shape_cast %swap3A_24 : vector<16xf32> to vector<16xf32>
    %swap3A_26 = vector.shape_cast %broadcast_in_dim3A_22 : vector<16xf32> to vector<16xf32>
    tpu.vector_store %arg9[%swap3A_23], %swap3A_26 {strides = array<i32>} : memref<256xf32, #tpu.memory_space<vmem>>, vector<16xf32>,
    %broadcast_in_dim3A_27 = arith.constant 1.000000e+00 : f32
    %broadcast_in_dim3A_28 = vector.broadcast %broadcast_in_dim3A_27 : f32 to vector<16xf32>
    %swap3A_29 = arith.constant 64 : index
    %swap3A_30 = tpu.vector_load %arg9[%swap3A_29] {strides = array<i32>} : memref<256xf32, #tpu.memory_space<vmem>>, vector<16xf32>,
    %swap3A_31 = vector.shape_cast %swap3A_30 : vector<16xf32> to vector<16xf32>
    %swap3A_32 = vector.shape_cast %broadcast_in_dim3A_28 : vector<16xf32> to vector<16xf32>
    tpu.vector_store %arg9[%swap3A_29], %swap3A_32 {strides = array<i32>} : memref<256xf32, #tpu.memory_space<vmem>>, vector<16xf32>,
    %broadcast_in_dim3A_33 = arith.constant 1.000000e+00 : f32
    %broadcast_in_dim3A_34 = vector.broadcast %broadcast_in_dim3A_33 : f32 to vector<16xf32>
    %swap3A_35 = arith.constant 80 : index
    %swap3A_36 = tpu.vector_load %arg9[%swap3A_35] {strides = array<i32>} : memref<256xf32, #tpu.memory_space<vmem>>, vector<16xf32>,
    %swap3A_37 = vector.shape_cast %swap3A_36 : vector<16xf32> to vector<16xf32>
    %swap3A_38 = vector.shape_cast %broadcast_in_dim3A_34 : vector<16xf32> to vector<16xf32>
    tpu.vector_store %arg9[%swap3A_35], %swap3A_38 {strides = array<i32>} : memref<256xf32, #tpu.memory_space<vmem>>, vector<16xf32>,
    %broadcast_in_dim3A_39 = arith.constant 1.000000e+00 : f32
    %broadcast_in_dim3A_40 = vector.broadcast %broadcast_in_dim3A_39 : f32 to vector<16xf32>
    %swap3A_41 = arith.constant 96 : index
    %swap3A_42 = tpu.vector_load %arg9[%swap3A_41] {strides = array<i32>} : memref<256xf32, #tpu.memory_space<vmem>>, vector<16xf32>,
    %swap3A_43 = vector.shape_cast %swap3A_42 : vector<16xf32> to vector<16xf32>
    %swap3A_44 = vector.shape_cast %broadcast_in_dim3A_40 : vector<16xf32> to vector<16xf32>
    tpu.vector_store %arg9[%swap3A_41], %swap3A_44 {strides = array<i32>} : memref<256xf32, #tpu.memory_space<vmem>>, vector<16xf32>,
    %broadcast_in_dim3A_45 = arith.constant 1.000000e+00 : f32
    %broadcast_in_dim3A_46 = vector.broadcast %broadcast_in_dim3A_45 : f32 to vector<16xf32>
    %swap3A_47 = arith.constant 112 : index
    %swap3A_48 = tpu.vector_load %arg9[%swap3A_47] {strides = array<i32>} : memref<256xf32, #tpu.memory_space<vmem>>, vector<16xf32>,
    %swap3A_49 = vector.shape_cast %swap3A_48 : vector<16xf32> to vector<16xf32>
    %swap3A_50 = vector.shape_cast %broadcast_in_dim3A_46 : vector<16xf32> to vector<16xf32>
    tpu.vector_store %arg9[%swap3A_47], %swap3A_50 {strides = array<i32>} : memref<256xf32, #tpu.memory_space<vmem>>, vector<16xf32>,
    %broadcast_in_dim3A_51 = arith.constant 1.000000e+00 : f32
    %broadcast_in_dim3A_52 = vector.broadcast %broadcast_in_dim3A_51 : f32 to vector<16xf32>
    %swap3A_53 = arith.constant 128 : index
    %swap3A_54 = tpu.vector_load %arg9[%swap3A_53] {strides = array<i32>} : memref<256xf32, #tpu.memory_space<vmem>>, vector<16xf32>,
    %swap3A_55 = vector.shape_cast %swap3A_54 : vector<16xf32> to vector<16xf32>
    %swap3A_56 = vector.shape_cast %broadcast_in_dim3A_52 : vector<16xf32> to vector<16xf32>
    tpu.vector_store %arg9[%swap3A_53], %swap3A_56 {strides = array<i32>} : memref<256xf32, #tpu.memory_space<vmem>>, vector<16xf32>,
    %broadcast_in_dim3A_57 = arith.constant 1.000000e+00 : f32
    %broadcast_in_dim3A_58 = vector.broadcast %broadcast_in_dim3A_57 : f32 to vector<16xf32>
    %swap3A_59 = arith.constant 144 : index
    %swap3A_60 = tpu.vector_load %arg9[%swap3A_59] {strides = array<i32>} : memref<256xf32, #tpu.memory_space<vmem>>, vector<16xf32>,
    %swap3A_61 = vector.shape_cast %swap3A_60 : vector<16xf32> to vector<16xf32>
    %swap3A_62 = vector.shape_cast %broadcast_in_dim3A_58 : vector<16xf32> to vector<16xf32>
    tpu.vector_store %arg9[%swap3A_59], %swap3A_62 {strides = array<i32>} : memref<256xf32, #tpu.memory_space<vmem>>, vector<16xf32>,
    %broadcast_in_dim3A_63 = arith.constant 1.000000e+00 : f32
    %broadcast_in_dim3A_64 = vector.broadcast %broadcast_in_dim3A_63 : f32 to vector<16xf32>
    %swap3A_65 = arith.constant 160 : index
    %swap3A_66 = tpu.vector_load %arg9[%swap3A_65] {strides = array<i32>} : memref<256xf32, #tpu.memory_space<vmem>>, vector<16xf32>,
    %swap3A_67 = vector.shape_cast %swap3A_66 : vector<16xf32> to vector<16xf32>
    %swap3A_68 = vector.shape_cast %broadcast_in_dim3A_64 : vector<16xf32> to vector<16xf32>
    tpu.vector_store %arg9[%swap3A_65], %swap3A_68 {strides = array<i32>} : memref<256xf32, #tpu.memory_space<vmem>>, vector<16xf32>,
    %broadcast_in_dim3A_69 = arith.constant 1.000000e+00 : f32
    %broadcast_in_dim3A_70 = vector.broadcast %broadcast_in_dim3A_69 : f32 to vector<16xf32>
    %swap3A_71 = arith.constant 176 : index
    %swap3A_72 = tpu.vector_load %arg9[%swap3A_71] {strides = array<i32>} : memref<256xf32, #tpu.memory_space<vmem>>, vector<16xf32>,
    %swap3A_73 = vector.shape_cast %swap3A_72 : vector<16xf32> to vector<16xf32>
    %swap3A_74 = vector.shape_cast %broadcast_in_dim3A_70 : vector<16xf32> to vector<16xf32>
    tpu.vector_store %arg9[%swap3A_71], %swap3A_74 {strides = array<i32>} : memref<256xf32, #tpu.memory_space<vmem>>, vector<16xf32>,
    %broadcast_in_dim3A_75 = arith.constant 1.000000e+00 : f32
    %broadcast_in_dim3A_76 = vector.broadcast %broadcast_in_dim3A_75 : f32 to vector<16xf32>
    %swap3A_77 = arith.constant 192 : index
    %swap3A_78 = tpu.vector_load %arg9[%swap3A_77] {strides = array<i32>} : memref<256xf32, #tpu.memory_space<vmem>>, vector<16xf32>,
    %swap3A_79 = vector.shape_cast %swap3A_78 : vector<16xf32> to vector<16xf32>
    %swap3A_80 = vector.shape_cast %broadcast_in_dim3A_76 : vector<16xf32> to vector<16xf32>
    tpu.vector_store %arg9[%swap3A_77], %swap3A_80 {strides = array<i32>} : memref<256xf32, #tpu.memory_space<vmem>>, vector<16xf32>,
    %broadcast_in_dim3A_81 = arith.constant 1.000000e+00 : f32
    %broadcast_in_dim3A_82 = vector.broadcast %broadcast_in_dim3A_81 : f32 to vector<16xf32>
    %swap3A_83 = arith.constant 208 : index
    %swap3A_84 = tpu.vector_load %arg9[%swap3A_83] {strides = array<i32>} : memref<256xf32, #tpu.memory_space<vmem>>, vector<16xf32>,
    %swap3A_85 = vector.shape_cast %swap3A_84 : vector<16xf32> to vector<16xf32>
    %swap3A_86 = vector.shape_cast %broadcast_in_dim3A_82 : vector<16xf32> to vector<16xf32>
    tpu.vector_store %arg9[%swap3A_83], %swap3A_86 {strides = array<i32>} : memref<256xf32, #tpu.memory_space<vmem>>, vector<16xf32>,
    %broadcast_in_dim3A_87 = arith.constant 1.000000e+00 : f32
    %broadcast_in_dim3A_88 = vector.broadcast %broadcast_in_dim3A_87 : f32 to vector<16xf32>
    %swap3A_89 = arith.constant 224 : index
    %swap3A_90 = tpu.vector_load %arg9[%swap3A_89] {strides = array<i32>} : memref<256xf32, #tpu.memory_space<vmem>>, vector<16xf32>,
    %swap3A_91 = vector.shape_cast %swap3A_90 : vector<16xf32> to vector<16xf32>
    %swap3A_92 = vector.shape_cast %broadcast_in_dim3A_88 : vector<16xf32> to vector<16xf32>
    tpu.vector_store %arg9[%swap3A_89], %swap3A_92 {strides = array<i32>} : memref<256xf32, #tpu.memory_space<vmem>>, vector<16xf32>,
    %broadcast_in_dim3A_93 = arith.constant 1.000000e+00 : f32
    %broadcast_in_dim3A_94 = vector.broadcast %broadcast_in_dim3A_93 : f32 to vector<16xf32>
    %swap3A_95 = arith.constant 240 : index
    %swap3A_96 = tpu.vector_load %arg9[%swap3A_95] {strides = array<i32>} : memref<256xf32, #tpu.memory_space<vmem>>, vector<16xf32>,
    %swap3A_97 = vector.shape_cast %swap3A_96 : vector<16xf32> to vector<16xf32>
    %swap3A_98 = vector.shape_cast %broadcast_in_dim3A_94 : vector<16xf32> to vector<16xf32>
    tpu.vector_store %arg9[%swap3A_95], %swap3A_98 {strides = array<i32>} : memref<256xf32, #tpu.memory_space<vmem>>, vector<16xf32>,
    "tpu.region"() ({
      %run_scoped3A = tpu.sem_alloc : memref<!tpu.dma_semaphore, #tpu.memory_space<semaphore_mem>>
      %dma_start3A_109 = tpu.memref_slice %arg3[%mul3A_2] : memref<8192xi32, #tpu.memory_space<hbm>> -> memref<256xi32, #tpu.memory_space<hbm>>
      %dma_start3A_110 = tpu.memref_slice %arg3[%mul3A_2] : memref<8192xi32, #tpu.memory_space<hbm>> -> memref<256xi32, #tpu.memory_space<hbm>>
      tpu.enqueue_dma source(%dma_start3A_110 : memref<256xi32, #tpu.memory_space<hbm>>) target(%arg7 : memref<256xi32, #tpu.memory_space<vmem>>) target_semaphore(%run_scoped3A : memref<!tpu.dma_semaphore, #tpu.memory_space<semaphore_mem>>)
      %dma_wait3A_111 = tpu.memref_slice %arg3[%mul3A_2] : memref<8192xi32, #tpu.memory_space<hbm>> -> memref<256xi32, #tpu.memory_space<hbm>>
      %dma_wait3A_112 = tpu.memref_slice %arg3[%mul3A_2] : memref<8192xi32, #tpu.memory_space<hbm>> -> memref<256xi32, #tpu.memory_space<hbm>>
      tpu.wait_dma2 semaphore(%run_scoped3A : memref<!tpu.dma_semaphore, #tpu.memory_space<semaphore_mem>>) src(%dma_wait3A_112 : memref<256xi32, #tpu.memory_space<hbm>>) dst(%arg7 : memref<256xi32, #tpu.memory_space<vmem>>)
      tpu.yield
    }) : () -> ()
    %dma_start3A = arith.constant 0 : i32
    %dma_start3A_99 = arith.constant 0 : i32
    %dma_start3A_100 = tpu.memref_slice %arg2[%dma_start3A, %dma_start3A_99] : memref<8192x64xf32, #tpu.memory_space<hbm>> -> memref<8192x64xf32, #tpu.memory_space<hbm>>
    tpu.enqueue_indirect_dma source(%dma_start3A_100 : memref<8192x64xf32, #tpu.memory_space<hbm>>) target(%arg8 : memref<256x64xf32, #tpu.memory_space<vmem>>) offsets(%arg7 : memref<256xi32, #tpu.memory_space<vmem>>) semaphore(%arg11 : memref<!tpu.dma_semaphore, #tpu.memory_space<semaphore_mem>>)
    %dma_wait3A = arith.constant 0 : i32
    %dma_wait3A_101 = arith.constant 0 : i32
    %dma_wait3A_102 = tpu.memref_slice %arg2[%dma_wait3A, %dma_wait3A_101] : memref<8192x64xf32, #tpu.memory_space<hbm>> -> memref<8192x64xf32, #tpu.memory_space<hbm>>
    tpu.wait_indirect_dma semaphore(%arg11 : memref<!tpu.dma_semaphore, #tpu.memory_space<semaphore_mem>>) src(%dma_wait3A_102 : memref<8192x64xf32, #tpu.memory_space<hbm>>) dst(%arg8 : memref<256x64xf32, #tpu.memory_space<vmem>>)
    "tpu.region"() ({
      %run_scoped3A = tpu.sem_alloc : memref<!tpu.dma_semaphore, #tpu.memory_space<semaphore_mem>>
      %dma_start3A_109 = arith.constant 0 : i32
      %dma_start3A_110 = tpu.memref_slice %arg5[%mul3A_2, %dma_start3A_109] : memref<8192x64xf32, #tpu.memory_space<hbm>> -> memref<256x64xf32, #tpu.memory_space<hbm>>
      %dma_start3A_111 = arith.constant 0 : i32
      %dma_start3A_112 = tpu.memref_slice %arg5[%mul3A_2, %dma_start3A_111] : memref<8192x64xf32, #tpu.memory_space<hbm>> -> memref<256x64xf32, #tpu.memory_space<hbm>>
      tpu.enqueue_dma source(%arg8 : memref<256x64xf32, #tpu.memory_space<vmem>>) target(%dma_start3A_112 : memref<256x64xf32, #tpu.memory_space<hbm>>) target_semaphore(%run_scoped3A : memref<!tpu.dma_semaphore, #tpu.memory_space<semaphore_mem>>)
      %dma_wait3A_113 = arith.constant 0 : i32
      %dma_wait3A_114 = tpu.memref_slice %arg5[%mul3A_2, %dma_wait3A_113] : memref<8192x64xf32, #tpu.memory_space<hbm>> -> memref<256x64xf32, #tpu.memory_space<hbm>>
      %dma_wait3A_115 = arith.constant 0 : i32
      %dma_wait3A_116 = tpu.memref_slice %arg5[%mul3A_2, %dma_wait3A_115] : memref<8192x64xf32, #tpu.memory_space<hbm>> -> memref<256x64xf32, #tpu.memory_space<hbm>>
      tpu.wait_dma2 semaphore(%run_scoped3A : memref<!tpu.dma_semaphore, #tpu.memory_space<semaphore_mem>>) src(%arg8 : memref<256x64xf32, #tpu.memory_space<vmem>>) dst(%dma_wait3A_116 : memref<256x64xf32, #tpu.memory_space<hbm>>)
      tpu.yield
    }) : () -> ()
    %barrier3A = arith.constant 0 : index
    tpu.barrier barrier_id(%barrier3A)
    "tpu.region"() ({
      %run_scoped3A = tpu.sem_alloc : memref<!tpu.dma_semaphore, #tpu.memory_space<semaphore_mem>>
      %dma_start3A_109 = arith.constant 0 : i32
      %dma_start3A_110 = tpu.memref_slice %arg10[%dma_start3A_109] : memref<8192xf32, #tpu.memory_space<vmem_shared>> -> memref<8192xf32, #tpu.memory_space<vmem_shared>>
      tpu.enqueue_indirect_dma source(%arg9 : memref<256xf32, #tpu.memory_space<vmem>>) target(%dma_start3A_110 : memref<8192xf32, #tpu.memory_space<vmem_shared>>) offsets(%arg7 : memref<256xi32, #tpu.memory_space<vmem>>) semaphore(%run_scoped3A : memref<!tpu.dma_semaphore, #tpu.memory_space<semaphore_mem>>) {add = true}
      %dma_wait3A_111 = arith.constant 0 : i32
      %dma_wait3A_112 = tpu.memref_slice %arg10[%dma_wait3A_111] : memref<8192xf32, #tpu.memory_space<vmem_shared>> -> memref<8192xf32, #tpu.memory_space<vmem_shared>>
      tpu.wait_indirect_dma semaphore(%run_scoped3A : memref<!tpu.dma_semaphore, #tpu.memory_space<semaphore_mem>>) src(%arg9 : memref<256xf32, #tpu.memory_space<vmem>>) dst(%dma_wait3A_112 : memref<8192xf32, #tpu.memory_space<vmem_shared>>)
      tpu.yield
    }) : () -> ()
    %barrier3A_103 = arith.constant 0 : index
    tpu.barrier barrier_id(%barrier3A_103)
    %eq3A_104 = arith.constant 0 : i32
    %eq3A_105 = arith.cmpi eq, %arg1, %eq3A_104 : i32
    %convert_element_type3A_106 = arith.extui %eq3A_105 : i1 to i32
    %cond3A_107 = arith.constant 0 : i32
    %cond3A_108 = arith.cmpi ne, %convert_element_type3A_106, %cond3A_107 : i32
    scf.if %cond3A_108 {
      "tpu.region"() ({
        %run_scoped3A = tpu.sem_alloc : memref<!tpu.dma_semaphore, #tpu.memory_space<semaphore_mem>>
        %dma_start3A_109 = arith.constant 0 : i32
        %dma_start3A_110 = tpu.memref_slice %arg6[%arg0, %dma_start3A_109] : memref<2x8192xf32, #tpu.memory_space<hbm>> -> memref<1x8192xf32, #tpu.memory_space<hbm>>
        %dma_start3A_111 = tpu.memref_squeeze %dma_start3A_110 : memref<1x8192xf32, #tpu.memory_space<hbm>> -> memref<8192xf32, #tpu.memory_space<hbm>>
        tpu.enqueue_dma source(%arg10 : memref<8192xf32, #tpu.memory_space<vmem_shared>>) target(%dma_start3A_111 : memref<8192xf32, #tpu.memory_space<hbm>>) target_semaphore(%run_scoped3A : memref<!tpu.dma_semaphore, #tpu.memory_space<semaphore_mem>>)
        %dma_wait3A_112 = arith.constant 0 : i32
        %dma_wait3A_113 = tpu.memref_slice %arg6[%arg0, %dma_wait3A_112] : memref<2x8192xf32, #tpu.memory_space<hbm>> -> memref<1x8192xf32, #tpu.memory_space<hbm>>
        %dma_wait3A_114 = tpu.memref_squeeze %dma_wait3A_113 : memref<1x8192xf32, #tpu.memory_space<hbm>> -> memref<8192xf32, #tpu.memory_space<hbm>>
        tpu.wait_dma2 semaphore(%run_scoped3A : memref<!tpu.dma_semaphore, #tpu.memory_space<semaphore_mem>>) src(%arg10 : memref<8192xf32, #tpu.memory_space<vmem_shared>>) dst(%dma_wait3A_114 : memref<8192xf32, #tpu.memory_space<hbm>>)
        tpu.yield
      }) : () -> ()
    } else {
    }
    return
  }
}

module attributes {stable_mosaic.version = 14 : i64} {
  func.func @_argmin_body(%arg0: i32, %arg1: memref<1x64x256xf32, #tpu.memory_space<vmem>>, %arg2: memref<8192x64xf32, #tpu.memory_space<vmem>>, %arg3: memref<1x256xi32, #tpu.memory_space<vmem>>, %arg4: memref<1x256xf32, #tpu.memory_space<vmem>>, %arg5: memref<1x8192xf32, #tpu.memory_space<vmem>>, %arg6: memref<8192x64xbf16, #tpu.memory_space<vmem>>) attributes {dimension_semantics = [#tpu.dimension_semantics<arbitrary>], iteration_bounds = array<i64: 32>, scalar_prefetch = 0 : i64, scratch_operands = 2 : i64, tpu.core_type = #tpu.core_type<tc>, window_params = [{transform_indices = @transform_0, window_bounds = array<i64: 1, 64, 256>}, {pipeline_mode = #tpu.pipeline_mode<synchronous>, transform_indices = @transform_1, window_bounds = array<i64: 8192, 64>}, {transform_indices = @transform_2, window_bounds = array<i64: 1, 256>}, {transform_indices = @transform_3, window_bounds = array<i64: 1, 256>}]} {
    %eq3A = arith.constant 0 : i32
    %eq3A_0 = arith.cmpi eq, %arg0, %eq3A : i32
    %convert_element_type3A = arith.extui %eq3A_0 : i1 to i32
    %cond3A = arith.constant 0 : i32
    %cond3A_1 = arith.cmpi ne, %convert_element_type3A, %cond3A : i32
    scf.if %cond3A_1 {
      %get3A_36 = arith.constant 0 : index
      %get3A_37 = arith.constant 0 : index
      %get3A_38 = vector.load %arg2[%get3A_36, %get3A_37] : memref<8192x64xf32, #tpu.memory_space<vmem>>, vector<8192x64xf32>
      %mul3A_39 = arith.mulf %get3A_38, %get3A_38 : vector<8192x64xf32>
      %reduce_sum3A_40 = arith.constant dense<0.000000e+00> : vector<8192xf32>
      %reduce_sum3A_41 = vector.multi_reduction <add>, %mul3A_39, %reduce_sum3A_40 [1] : vector<8192x64xf32> to vector<8192xf32>
      %broadcast_in_dim3A_42 = vector.shape_cast %reduce_sum3A_41 : vector<8192xf32> to vector<1x8192xf32>
      %swap3A_43 = arith.constant 0 : index
      %swap3A_44 = arith.constant 0 : index
      %swap3A_45 = vector.load %arg5[%swap3A_43, %swap3A_44] : memref<1x8192xf32, #tpu.memory_space<vmem>>, vector<1x8192xf32>
      tpu.vector_store %arg5[%swap3A_43, %swap3A_44], %broadcast_in_dim3A_42 {strides = array<i32>} : memref<1x8192xf32, #tpu.memory_space<vmem>>, vector<1x8192xf32>,
      %convert_element_type3A_46 = arith.truncf %get3A_38 : vector<8192x64xf32> to vector<8192x64xbf16>
      %swap3A_47 = arith.constant 0 : index
      %swap3A_48 = arith.constant 0 : index
      %swap3A_49 = vector.load %arg6[%swap3A_47, %swap3A_48] : memref<8192x64xbf16, #tpu.memory_space<vmem>>, vector<8192x64xbf16>
      tpu.vector_store %arg6[%swap3A_47, %swap3A_48], %convert_element_type3A_46 {strides = array<i32>} : memref<8192x64xbf16, #tpu.memory_space<vmem>>, vector<8192x64xbf16>,
    } else {
    }
    %get3A = arith.constant 0 : index
    %get3A_2 = arith.constant 0 : index
    %get3A_3 = arith.constant 0 : index
    %get3A_4 = vector.load %arg1[%get3A, %get3A_2, %get3A_3] : memref<1x64x256xf32, #tpu.memory_space<vmem>>, vector<1x64x256xf32>
    %get3A_5 = vector.shape_cast %get3A_4 : vector<1x64x256xf32> to vector<64x256xf32>
    %transpose3A = tpu.transpose %get3A_5, [1, 0] : vector<64x256xf32> -> vector<256x64xf32>
    %mul3A = arith.mulf %transpose3A, %transpose3A : vector<256x64xf32>
    %reduce_sum3A = arith.constant dense<0.000000e+00> : vector<256xf32>
    %reduce_sum3A_6 = vector.multi_reduction <add>, %mul3A, %reduce_sum3A [1] : vector<256x64xf32> to vector<256xf32>
    %broadcast_in_dim3A = vector.shape_cast %reduce_sum3A_6 : vector<256xf32> to vector<256x1xf32>
    %convert_element_type3A_7 = arith.truncf %transpose3A : vector<256x64xf32> to vector<256x64xbf16>
    %get3A_8 = arith.constant 0 : index
    %get3A_9 = arith.constant 0 : index
    %get3A_10 = vector.load %arg6[%get3A_8, %get3A_9] : memref<8192x64xbf16, #tpu.memory_space<vmem>>, vector<8192x64xbf16>
    %dot_general3A = arith.constant dense<0.000000e+00> : vector<256x8192xf32>
    %dot_general3A_11 = tpu.matmul %convert_element_type3A_7, %get3A_10, %dot_general3A {dimension_numbers = #tpu.dot_dimension_numbers<[1], [1], [0], [0], [0, 0, 1, 0], [], []>, transpose_lhs_hint = false} : vector<256x64xbf16>, vector<8192x64xbf16>, vector<256x8192xf32> -> vector<256x8192xf32>
    %get3A_12 = arith.constant 0 : index
    %get3A_13 = arith.constant 0 : index
    %get3A_14 = vector.load %arg5[%get3A_12, %get3A_13] : memref<1x8192xf32, #tpu.memory_space<vmem>>, vector<1x8192xf32>
    %add3A = vector.broadcast %broadcast_in_dim3A : vector<256x1xf32> to vector<256x8192xf32>
    %add3A_15 = vector.broadcast %get3A_14 : vector<1x8192xf32> to vector<256x8192xf32>
    %add3A_16 = arith.addf %add3A, %add3A_15 : vector<256x8192xf32>
    %mul3A_17 = arith.constant 2.000000e+00 : f32
    %mul3A_18 = vector.broadcast %mul3A_17 : f32 to vector<256x8192xf32>
    %mul3A_19 = arith.mulf %mul3A_18, %dot_general3A_11 : vector<256x8192xf32>
    %sub3A = arith.subf %add3A_16, %mul3A_19 : vector<256x8192xf32>
    %reduce_min3A = arith.constant dense<0x7F800000> : vector<256xf32>
    %reduce_min3A_20 = vector.multi_reduction <minimumf>, %sub3A, %reduce_min3A [1] : vector<256x8192xf32> to vector<256xf32>
    %iota3A = tpu.iota {dimensions = array<i32: 1>} : vector<256x8192xi32>
    %broadcast_in_dim3A_21 = vector.shape_cast %reduce_min3A_20 : vector<256xf32> to vector<256x1xf32>
    %eq3A_22 = vector.broadcast %broadcast_in_dim3A_21 : vector<256x1xf32> to vector<256x8192xf32>
    %eq3A_23 = arith.cmpf oeq, %sub3A, %eq3A_22 : vector<256x8192xf32>
    %jit3A = arith.constant 8192 : i32
    %broadcast_in_dim3A_24 = vector.broadcast %jit3A : i32 to vector<256x8192xi32>
    %select_n3A = arith.select %eq3A_23, %iota3A, %broadcast_in_dim3A_24 : vector<256x8192xi1>, vector<256x8192xi32>
    %reduce_min3A_25 = arith.constant dense<2147483647> : vector<256xi32>
    %reduce_min3A_26 = vector.multi_reduction <minsi>, %select_n3A, %reduce_min3A_25 [1] : vector<256x8192xi32> to vector<256xi32>
    %swap3A = arith.constant 0 : index
    %swap3A_27 = arith.constant 0 : index
    %swap3A_28 = vector.load %arg3[%swap3A, %swap3A_27] : memref<1x256xi32, #tpu.memory_space<vmem>>, vector<1x256xi32>
    %swap3A_29 = vector.shape_cast %swap3A_28 : vector<1x256xi32> to vector<256xi32>
    %swap3A_30 = vector.shape_cast %reduce_min3A_26 : vector<256xi32> to vector<1x256xi32>
    tpu.vector_store %arg3[%swap3A, %swap3A_27], %swap3A_30 {strides = array<i32>} : memref<1x256xi32, #tpu.memory_space<vmem>>, vector<1x256xi32>,
    %swap3A_31 = arith.constant 0 : index
    %swap3A_32 = arith.constant 0 : index
    %swap3A_33 = vector.load %arg4[%swap3A_31, %swap3A_32] : memref<1x256xf32, #tpu.memory_space<vmem>>, vector<1x256xf32>
    %swap3A_34 = vector.shape_cast %swap3A_33 : vector<1x256xf32> to vector<256xf32>
    %swap3A_35 = vector.shape_cast %reduce_min3A_20 : vector<256xf32> to vector<1x256xf32>
    tpu.vector_store %arg4[%swap3A_31, %swap3A_32], %swap3A_35 {strides = array<i32>} : memref<1x256xf32, #tpu.memory_space<vmem>>, vector<1x256xf32>,
    return
  }
  func.func @transform_0(%arg0: i32) -> (i32, i32, i32) {
    %jit3A = arith.constant 4 : i32
    %div3A = arith.divsi %arg0, %jit3A : i32
    %sign3A = arith.constant 0 : i32
    %sign3A_0 = arith.cmpi sgt, %arg0, %sign3A : i32
    %sign3A_1 = arith.extui %sign3A_0 : i1 to i32
    %sign3A_2 = arith.constant 0 : i32
    %sign3A_3 = arith.cmpi slt, %arg0, %sign3A_2 : i32
    %sign3A_4 = arith.extui %sign3A_3 : i1 to i32
    %sign3A_5 = arith.subi %sign3A_1, %sign3A_4 : i32
    %sign3A_6 = arith.constant 0 : i32
    %sign3A_7 = arith.cmpi sgt, %jit3A, %sign3A_6 : i32
    %sign3A_8 = arith.extui %sign3A_7 : i1 to i32
    %sign3A_9 = arith.constant 0 : i32
    %sign3A_10 = arith.cmpi slt, %jit3A, %sign3A_9 : i32
    %sign3A_11 = arith.extui %sign3A_10 : i1 to i32
    %sign3A_12 = arith.subi %sign3A_8, %sign3A_11 : i32
    %ne3A = arith.cmpi ne, %sign3A_5, %sign3A_12 : i32
    %rem3A = arith.remsi %arg0, %jit3A : i32
    %ne3A_13 = arith.constant 0 : i32
    %ne3A_14 = arith.cmpi ne, %rem3A, %ne3A_13 : i32
    %and3A = arith.andi %ne3A, %ne3A_14 : i1
    %sub3A = arith.constant 1 : i32
    %sub3A_15 = arith.subi %div3A, %sub3A : i32
    %select_n3A = arith.select %and3A, %sub3A_15, %div3A : i32
    %jit3A_16 = arith.constant 4 : i32
    %eq3A = arith.constant 0 : i32
    %eq3A_17 = arith.cmpi eq, %jit3A_16, %eq3A : i32
    %jit3A_18 = arith.constant 1 : i32
    %select_n3A_19 = arith.select %eq3A_17, %jit3A_18, %jit3A_16 : i32
    %rem3A_20 = arith.remsi %arg0, %select_n3A_19 : i32
    %ne3A_21 = arith.constant 0 : i32
    %ne3A_22 = arith.cmpi ne, %rem3A_20, %ne3A_21 : i32
    %lt3A = arith.constant 0 : i32
    %lt3A_23 = arith.cmpi slt, %rem3A_20, %lt3A : i32
    %lt3A_24 = arith.constant 0 : i32
    %lt3A_25 = arith.cmpi slt, %select_n3A_19, %lt3A_24 : i32
    %ne3A_26 = arith.xori %lt3A_23, %lt3A_25 : i1
    %and3A_27 = arith.andi %ne3A_26, %ne3A_22 : i1
    %add3A = arith.addi %rem3A_20, %select_n3A_19 : i32
    %select_n3A_28 = arith.select %and3A_27, %add3A, %rem3A_20 : i32
    %c0_i32 = arith.constant 0 : i32
    %c0_i32_29 = arith.constant 0 : i32
    return %select_n3A, %c0_i32, %select_n3A_28 : i32, i32, i32
  }
  func.func @transform_1(%arg0: i32) -> (i32, i32) {
    %c0_i32 = arith.constant 0 : i32
    %c0_i32_0 = arith.constant 0 : i32
    %c0_i32_1 = arith.constant 0 : i32
    return %c0_i32, %c0_i32_0 : i32, i32
  }
  func.func @transform_2(%arg0: i32) -> (i32, i32) {
    %c0_i32 = arith.constant 0 : i32
    %c0_i32_0 = arith.constant 0 : i32
    return %c0_i32, %arg0 : i32, i32
  }
  func.func @transform_3(%arg0: i32) -> (i32, i32) {
    %c0_i32 = arith.constant 0 : i32
    %c0_i32_0 = arith.constant 0 : i32
    return %c0_i32, %arg0 : i32, i32
  }
}

module attributes {stable_mosaic.version = 14 : i64} {
  func.func @_finalize_body(%arg0: memref<1x8192xf32, #tpu.memory_space<vmem>>, %arg1: memref<2x8192xf32, #tpu.memory_space<vmem>>, %arg2: memref<1x1xf32, #tpu.memory_space<vmem>>, %arg3: memref<1x1xf32, #tpu.memory_space<vmem>>) attributes {dimension_semantics = [], scalar_prefetch = 0 : i64, scratch_operands = 0 : i64, tpu.core_type = #tpu.core_type<tc>} {
    %get3A = arith.constant 0 : index
    %get3A_0 = arith.constant 0 : index
    %get3A_1 = vector.load %arg0[%get3A, %get3A_0] : memref<1x8192xf32, #tpu.memory_space<vmem>>, vector<1x8192xf32>
    %reduce_sum3A = vector.shape_cast %get3A_1 : vector<1x8192xf32> to vector<1x1x8192xf32>
    %reduce_sum3A_2 = arith.constant dense<0.000000e+00> : vector<1xf32>
    %reduce_sum3A_3 = vector.multi_reduction <add>, %reduce_sum3A, %reduce_sum3A_2 [1, 2] : vector<1x1x8192xf32> to vector<1xf32>
    %reduce_sum3A_4 = vector.shape_cast %reduce_sum3A_3 : vector<1xf32> to vector<1x1x1xf32>
    %reduce_sum3A_5 = vector.extract %reduce_sum3A_4[0, 0, 0] : f32 from vector<1x1x1xf32>
    %mul3A = arith.constant 2.38418579E-6 : f32
    %mul3A_6 = arith.mulf %reduce_sum3A_5, %mul3A : f32
    %reshape3A = vector.broadcast %mul3A_6 : f32 to vector<1x1xf32>
    %swap3A = arith.constant 0 : index
    %swap3A_7 = arith.constant 0 : index
    %swap3A_8 = vector.load %arg2[%swap3A, %swap3A_7] : memref<1x1xf32, #tpu.memory_space<vmem>>, vector<1x1xf32>
    tpu.vector_store %arg2[%swap3A, %swap3A_7], %reshape3A {strides = array<i32>} : memref<1x1xf32, #tpu.memory_space<vmem>>, vector<1x1xf32>,
    %get3A_9 = arith.constant 0 : index
    %get3A_10 = arith.constant 0 : index
    %get3A_11 = vector.load %arg1[%get3A_9, %get3A_10] : memref<2x8192xf32, #tpu.memory_space<vmem>>, vector<2x8192xf32>
    %reduce_sum3A_12 = arith.constant dense<0.000000e+00> : vector<8192xf32>
    %reduce_sum3A_13 = vector.multi_reduction <add>, %get3A_11, %reduce_sum3A_12 [0] : vector<2x8192xf32> to vector<8192xf32>
    %broadcast_in_dim3A = vector.shape_cast %reduce_sum3A_13 : vector<8192xf32> to vector<1x8192xf32>
    %mul3A_14 = arith.constant 1.22070313E-4 : f32
    %mul3A_15 = vector.broadcast %mul3A_14 : f32 to vector<1x8192xf32>
    %mul3A_16 = arith.mulf %broadcast_in_dim3A, %mul3A_15 : vector<1x8192xf32>
    %add3A = arith.constant 1.000000e-10 : f32
    %add3A_17 = vector.broadcast %add3A : f32 to vector<1x8192xf32>
    %add3A_18 = arith.addf %mul3A_16, %add3A_17 : vector<1x8192xf32>
    %log3A = math.log %add3A_18 : vector<1x8192xf32>
    %mul3A_19 = arith.mulf %mul3A_16, %log3A : vector<1x8192xf32>
    %reduce_sum3A_20 = vector.shape_cast %mul3A_19 : vector<1x8192xf32> to vector<1x1x8192xf32>
    %reduce_sum3A_21 = arith.constant dense<0.000000e+00> : vector<1xf32>
    %reduce_sum3A_22 = vector.multi_reduction <add>, %reduce_sum3A_20, %reduce_sum3A_21 [1, 2] : vector<1x1x8192xf32> to vector<1xf32>
    %reduce_sum3A_23 = vector.shape_cast %reduce_sum3A_22 : vector<1xf32> to vector<1x1x1xf32>
    %reduce_sum3A_24 = vector.extract %reduce_sum3A_23[0, 0, 0] : f32 from vector<1x1x1xf32>
    %neg3A = arith.constant 0.000000e+00 : f32
    %neg3A_25 = arith.subf %neg3A, %reduce_sum3A_24 : f32
    %exp3A = math.exp %neg3A_25 : f32
    %reshape3A_26 = vector.broadcast %exp3A : f32 to vector<1x1xf32>
    %swap3A_27 = arith.constant 0 : index
    %swap3A_28 = arith.constant 0 : index
    %swap3A_29 = vector.load %arg3[%swap3A_27, %swap3A_28] : memref<1x1xf32, #tpu.memory_space<vmem>>, vector<1x1xf32>
    tpu.vector_store %arg3[%swap3A_27, %swap3A_28], %reshape3A_26 {strides = array<i32>} : memref<1x1xf32, #tpu.memory_space<vmem>>, vector<1x1xf32>,
    return
  }
}

</mosaic_0001>

<sc_bundles>
// kernel: kernel.5.cloned.1.call-start
scs
__scs_entry_jumppad:
0x0: {  	(pc) =	sbr.rel $0x88, $3  }
0x1: {  	(tag) =	ssettag $0x0;
	lr =	simm.s32 $0x1  }
0x2: {  	[smem:$0x3F9F] =	sst lr;
	_ =	strace $0xD0000000  }
0x3: {  	_ = 	snop  }
0x4: {  	_ = 	snop  }
0x5: {  	_ = 	snop  }
0x6: {  	_ = 	snop  }
0x7: {  	_ = 	snop  }
__scs_overlays_trampoline_lowered:
0x8: {  	[smem:$0x3FAE] =	sst s0  }
0x9: {  	[smem:$0x3FAF] =	sst s1  }
0xa: {  	[smem:$0x3FB0] =	sst s2  }
0xb: {  	[smem:$0x3FB1] =	sst s3  }
0xc: {  	[smem:$0x3FB2] =	sst s4  }
0xd: {  	[smem:$0x3FB3] =	sst s5  }
0xe: {  	[smem:$0x3FB4] =	sst s6  }
0xf: {  	[smem:$0x3FB5] =	sst s7  }
0x10: {  	[smem:$0x3FB6] =	sst s8  }
0x11: {  	[smem:$0x3FB7] =	sst s9;
	s0 =	simm.s32 @!p0 $0x0  }
0x12: {  	s1 =	sld [smem:$0x3F9D];
	s0 =	simm.s32 @p0 $0x1  }
0x13: {  	[smem:$0x3FB8] =	sst s0;
	s0 =	simm.s32 @!p1 $0x0  }
0x14: {  	s2 =	sld [smem:$0x3F9C];
	s0 =	simm.s32 @p1 $0x1  }
0x15: {  	[smem:$0x3FB9] =	sst s0;
	s0 =	simm.s32 @!p2 $0x0  }
0x16: {  	s3 =	sld [smem:$0x3FDB];
	s0 =	simm.s32 @p2 $0x1  }
0x17: {  	s4 =	simm.s32 $0x1BF5;
	[smem:$0x3FBB] =	sst s0  }
0x18: {  	s0 =	sld [smem:$0x3F9E];
	_ =	swait.ge [sflag:s4], $0x0  }
0x19: {  	s7 =	sld [smem:$0x3F9F]  }
0x1a: {  	s8 =	sadd.s32 $0xFFFFE003, lr  }
0x1b: {  	s9 =	sadd.s32 $0xFFFFFEF7, lr;
	s5 =	simm.s32 $0xFFFFFFFF;
	p2 =	slt.u32 s8, $0xFFFFF086  }
0x1c: {  	p1 =	slt.u32 s9, $0xF7A;
	s5 =	simm.s32 @!p2 $0x0  }
0x1d: {  	s5 =	simm.s32 @p1 $0x1;
	p0 =	seq.s32 s7, s2  }
0x1e: {  	s7 =	smul.u32 @!p0 $0xF7A, s2;
	p2 =	seq.s32 @!p0 s5, $0x0  }
0x1f: {  	s9 =	smul.u32 $0xF7A, s1;
	s8 =	simm.s32 @!p0 $0x1BF5;
	p2 =	por !p2, p0  }
0x20: {  	[sflag:s8] =	ssyncset.s32 @!p0 $0xFFFFF086;
	s6 =	sadd.s32 @!p0 s3, s7;
	s7 =	simm.s32 @!p0 $0x108  }
0x21: {  	s3 =	sadd.s32 s3, s9;
	s6 =	sadd.s32 @!p0 $0x88, s6;
	s7 =	simm.s32 @p2 $0x1082  }
0x22: {  	[simem:s7], [sflag:s8] =	dma.local @!p0 [hbm:s6], $0xF7A  }
0x23: {  	s9 =	sor.u32 $0xD0000000, s2;
	s6 =	simm.s32 $0x108;
	_ =	swait.ge @!p0 [sflag:s8], $0x0  }
0x24: {  	s3 =	sadd.s32 $0x88, s3;
	s6 =	simm.s32 @!p1 $0x1082;
	[sflag:s4] =	ssyncset.s32 $0xFFFFF086  }
0x25: {  	[simem:s6], [sflag:s4] =	dma.local [hbm:s3], $0xF7A  }
0x26: {  	[smem:$0x3F9F] =	sst s1;
	(tag) =	ssettag s2;
	_ =	strace s9  }
0x27: {  	s1 =	sld [smem:$0x3FAF]  }
0x28: {  	s2 =	sld [smem:$0x3FB0]  }
0x29: {  	s4 =	sld [smem:$0x3FB2]  }
0x2a: {  	p0 =	seq.s32 s5, $0x0;
	s5 =	sld [smem:$0x3FB3]  }
0x2b: {  	s6 =	sld [smem:$0x3FB4]  }
0x2c: {  	s7 =	sld [smem:$0x3FB5]  }
0x2d: {  	s3 =	simm.s32 $0x108;
	s8 =	sld [smem:$0x3FB6]  }
0x2e: {  	s3 =	simm.s32 @!p0 $0x1082;
	s9 =	sld [smem:$0x3FB7]  }
0x2f: {  	lr =	sadd.s32 s0, s3;
	s0 =	sld [smem:$0x3FAE]  }
0x30: {  	s3 =	sld [smem:$0x3FB1]  }
0x31: {  	[smem:$0x3FBA] =	sst s10  }
0x32: {  	s10 =	sld [smem:$0x3FB8];
	_ =	sdelay $0x3  }
0x33: {  	p0 =	seq.s32 s10, $0x1;
	s10 =	sld [smem:$0x3FBA];
	_ =	sdelay $0x3  }
0x34: {  	[smem:$0x3FBA] =	sst s10  }
0x35: {  	s10 =	sld [smem:$0x3FB9];
	_ =	sdelay $0x3  }
0x36: {  	p1 =	seq.s32 s10, $0x1;
	s10 =	sld [smem:$0x3FBA];
	_ =	sdelay $0x3  }
0x37: {  	[smem:$0x3FBA] =	sst s10  }
0x38: {  	s10 =	sld [smem:$0x3FBB]  }
0x39: {  	_ = 	snop;
	(pc) =	sbr.ind lr, $3  }
0x3a: {  	_ = 	snop  }
0x3b: {  	_ = 	snop  }
0x3c: {  	p2 =	seq.s32 s10, $0x1;
	s10 =	sld [smem:$0x3FBA]  }
0x3d: {  	_ =	shalt  }
0x3e: {  	_ =	shalt  }
0x3f: {  	_ =	shalt  }
0x40: {  	_ =	shalt  }
0x41: {  	_ =	shalt  }
0x42: {  	_ =	shalt  }
0x43: {  	_ =	shalt  }
0x44: {  	_ =	shalt  }
0x45: {  	_ =	shalt  }
0x46: {  	_ =	shalt  }
0x47: {  	_ =	shalt  }
0x48: {  	_ =	shalt  }
0x49: {  	_ =	shalt  }
0x4a: {  	_ =	shalt  }
0x4b: {  	_ =	shalt  }
0x4c: {  	_ =	shalt  }
0x4d: {  	_ =	shalt  }
0x4e: {  	_ =	shalt  }
0x4f: {  	_ =	shalt  }
0x50: {  	_ =	shalt  }
0x51: {  	_ =	shalt  }
0x52: {  	_ =	shalt  }
0x53: {  	_ =	shalt  }
0x54: {  	_ =	shalt  }
0x55: {  	_ =	shalt  }
0x56: {  	_ =	shalt  }
0x57: {  	_ =	shalt  }
0x58: {  	_ =	shalt  }
0x59: {  	_ =	shalt  }
0x5a: {  	_ =	shalt  }
0x5b: {  	_ =	shalt  }
0x5c: {  	_ =	shalt  }
0x5d: {  	_ =	shalt  }
0x5e: {  	_ =	shalt  }
0x5f: {  	_ =	shalt  }
0x60: {  	_ =	shalt  }
0x61: {  	_ =	shalt  }
0x62: {  	_ =	shalt  }
0x63: {  	_ =	shalt  }
0x64: {  	_ =	shalt  }
0x65: {  	_ =	shalt  }
0x66: {  	_ =	shalt  }
0x67: {  	_ =	shalt  }
0x68: {  	_ =	shalt  }
0x69: {  	_ =	shalt  }
0x6a: {  	_ =	shalt  }
0x6b: {  	_ =	shalt  }
0x6c: {  	_ =	shalt  }
0x6d: {  	_ =	shalt  }
0x6e: {  	_ =	shalt  }
0x6f: {  	_ =	shalt  }
0x70: {  	_ =	shalt  }
0x71: {  	_ =	shalt  }
0x72: {  	_ =	shalt  }
0x73: {  	_ =	shalt  }
0x74: {  	_ =	shalt  }
0x75: {  	_ =	shalt  }
0x76: {  	_ =	shalt  }
0x77: {  	_ =	shalt  }
0x78: {  	_ =	shalt  }
0x79: {  	_ =	shalt  }
0x7a: {  	_ =	shalt  }
0x7b: {  	_ =	shalt  }
0x7c: {  	_ =	shalt  }
0x7d: {  	_ =	shalt  }
0x7e: {  	_ =	shalt  }
0x7f: {  	_ =	shalt  }
0x80: {  	_ =	shalt  }
0x81: {  	_ =	shalt  }
0x82: {  	_ =	shalt  }
0x83: {  	_ =	shalt  }
0x84: {  	_ =	shalt  }
0x85: {  	_ =	shalt  }
0x86: {  	_ =	shalt  }
0x87: {  	_ =	shalt  }
.Lfunc_end0:
.L_simem_size_0:
called_computation_lowered:
.L_overlay_start_0:
0x88: {  	s2 =	sld [smem:$0x3FD9]  }
0x89: {  	s3 =	sld [smem:$0x3FFE];
	_ =	sdelay $0x1  }
0x8a: {  	s1 =	srdreg.scid  }
0x8b: {  	s0 =	sand.u32 $0x1, s1  }
0x8c: {  	s14 =	sshll.u32 s0, $0xA;
	s2 =	sadd.s32 s3, s2  }
0x8d: {  	s2 =	sadd.s32 s2, s14  }
0x8e: {  	[smem:$0x3FC6] =	sst s2  }
0x8f: {  	_ = 	snop  }
0x90: {  	s2 =	sld [smem:$0x3FD0];
	_ =	sdelay $0x2  }
0x91: {  	s15 =	simm.s32 $0xA;
	s4 =	simm.s32 $0x10  }
0x92: {  	[smem:s4], [sflag:s15] =	dma.local [hbm:s2], $0x1  }
0x93: {  	_ =	swait.eq [sflag:s15], $0x1  }
0x94: {  	[sflag:s15] =	ssyncset.done $0x0  }
0x95: {  	[sflag:s15] =	ssyncadd.s32 $0xFFFFFFFF  }
0x96: {  	s16 =	sld [smem:$0x10];
	(tm) =	ssettm $0x1  }
0x97: {  	s17 =	sld [smem:$0x3FFB];
	_ =	sdelay $0x3  }
0x98: {  	_ =	strace s17  }
0x99: {  	s3 =	sld [smem:$0x3FFC];
	_ =	sdelay $0x3  }
0x9a: {  	_ =	strace s3  }
0x9b: {  	s3 =	sld [smem:$0x3FFD];
	_ =	sdelay $0x3  }
0x9c: {  	_ =	strace s3  }
0x9d: {  	_ =	strace $0x8FFFFFFF  }
0x9e: {  	s18 =	sld [smem:$0x3FDB];
	_ =	sdelay $0x1  }
0x9f: {  	s19 =	simm.s32 $_scs_section_size  }
0xa0: {  	s5 =	simm.s32 $_size__tile_overlayer_lowered;
	s6 =	simm.s32 $_tile_overlayer_lowered  }
0xa1: {  	s22 =	simm.s32 $0x1BFF;
	s21 =	sshll.u32 s6, $0x1;
	s3 =	sadd.s32 s19, s18  }
0xa2: {  	s7 =	simm.s32 $0x0;
	s20 =	sshll.u32 s5, $0x1;
	s5 =	sadd.s32 s21, s3  }
0xa3: {  	[timem:s7], [sflag:s22] =	dma.local [hbm:s5], s20  }
0xa4: {  	_ =	swait.ge [sflag:s22], s20  }
0xa5: {  	s4 =	ssub.s32 $0x0, s20;
	[sflag:s22] =	ssyncset.done $0x0  }
0xa6: {  	[sflag:s22] =	ssyncadd.s32 s4;
	_ =	sdelay $0x1  }
0xa7: {  	s23 =	simm.s32 $0x1B8B  }
0xa8: {  	_ =	swait.ge [sflag:s23], $0x1  }
0xa9: {  	[sflag:s23] =	ssyncset.done $0x0  }
0xaa: {  	s25 =	simm.s32 $0x1B8E;
	s24 =	sld [smem:$0x3FFE];
	[sflag:s23] =	ssyncadd.s32 $0xFFFFFFFF  }
0xab: {  	s26 =	simm.s32 $execute0_lowered;
	[smem:$0x3FD2] =	sst s25  }
0xac: {  	s5 =	sshll.u32 s26, $0x1;
	_ =	strace $0x80000046;
	[dreg:$0x1] =	wrdreg $0xFFFFFFFF  }
0xad: {  	s28 =	simm.s32 $_size_execute0_lowered;
	s3 =	sadd.s32 s3, s5;
	[dreg:$0x0] =	wrdreg $0x0  }
0xae: {  	s5 =	sshll.u32 s28, $0x1;
	[dreg:$0x2] =	wrdreg s3  }
0xaf: {  	[dreg:$0x3] =	wrdreg s5  }
0xb0: {  	[dreg:$0x4] =	wrdreg $0xC0  }
0xb1: {  	_ =	task [dreg:s7], $0x5FFFF  }
0xb2: {  	[dreg:$0x1] =	wrdreg $0xFFFFFFFF  }
0xb3: {  	[dreg:$0x0] =	wrdreg $0x60  }
0xb4: {  	[dreg:$0x2] =	wrdreg s16  }
0xb5: {  	[dreg:$0x3] =	wrdreg s24  }
0xb6: {  	[dreg:$0x4] =	wrdreg $0x42000  }
0xb7: {  	[dreg:$0x5] =	wrdreg $0x9  }
0xb8: {  	_ =	task.clear_ibuf [dreg:s7], $0x6FFFF;
	_ =	strace $0x90000046  }
0xb9: {  	s29 =	simm.s32 $0x9;
	_ =	strace $0x80000048  }
0xba: {  	_ =	swait.ge [sflag:s29], $0x1  }
0xbb: {  	[sflag:s29] =	ssyncadd.s32 $0xFFFFFFFF  }
0xbc: {  	_ =	strace $0x90000048  }
0xbd: {  	_ =	sfence  }
0xbe: {  	s30 =	sld [smem:$0x0];
	_ =	sdelay $0x2  }
0xbf: {  	s31 =	sshll.u32 s1, $0xD;
	s1 =	sshrl.u32 s1, $0x2  }
0xc0: {  	s3 =	sand.u32 $0x4000, s31;
	s1 =	sadd.s32 s1, s30  }
0xc1: {  	s0 =	sor.u32 s3, s0;
	s1 =	sshll.u32 s1, $0x11  }
0xc2: {  	s0 =	sor.u32 s1, s0  }
0xc3: {  	s0 =	sadd.s32 $0x8F2B, s0  }
0xc4: {  	[sflag:s0] =	ssyncadd.remote.s32 $0x1  }
0xc5: {  	_ =	sfence.sel $0xFFFF  }
0xc6: {  	[dreg:$0x0] =	wrdreg $0xFFFFFFFF;
	(pc) =	sbr.abs _section_cstart, $3  }
0xc7: {  	[dreg:$0x1] =	wrdreg $0xFFFFFFFF  }
0xc8: {  	_ =	task.clear_ibuf [dreg:s7], $0x2FFFF;
	_ =	strace $0x9FFFFFFF  }
0xc9: {  	(tm) =	ssettm $0x7FFFFFFF  }
tec
execute0_lowered:
.L_overlay_start_1:
0x0: {  	(tag) =	ssettag $0x1  }
0x1: {  	s6 =	rddreg [dreg:$0x0]  }
0x2: {  	s9 =	rddreg [dreg:$0x1]  }
0x3: {  	s1 =	rddreg [dreg:$0x2]  }
0x4: {  	s0 =	rddreg [dreg:$0x3];
	s2 =	simm.s32 $0x0  }
0x5: {  	s8 =	stileid.u32;
	[smem:$0x7FF] =	sst s2  }
0x6: {  	s7 =	sadd.s32 $0x1200, s9;
	p0 =	sne.s32 s8, $0x0;
	_ =	strace $0x80000047  }
0x7: {  	s4 =	sshrl.u32 @!p0 s1, $0x3;
	s5 =	simm.s32 @!p0 $0x1C02;
	s3 =	simm.s32 @!p0 $0x2  }
0x8: {  	[spmem:s4], [sflag:s5] =	dma.local @!p0 [hbm:s7], $0x400  }
0x9: {  	_ =	swait.ge @!p0 [sflag:s3], $0x400  }
0xa: {  	[sflag:s3] =	ssyncset.done @!p0 $0x0  }
0xb: {  	v0 =	vimm.f32 $1.000000000e+00;
	[sflag:s3] =	ssyncadd.s32 @!p0 $0xFFFFFC00  }
0xc: {  	[tilespmem:$0x41F0] =	vst v0  }
0xd: {  	[tilespmem:$0x41E0] =	vst v0  }
0xe: {  	[tilespmem:$0x41D0] =	vst v0  }
0xf: {  	[tilespmem:$0x41C0] =	vst v0  }
0x10: {  	[tilespmem:$0x41B0] =	vst v0  }
0x11: {  	[tilespmem:$0x41A0] =	vst v0  }
0x12: {  	[tilespmem:$0x4190] =	vst v0  }
0x13: {  	[tilespmem:$0x4180] =	vst v0  }
0x14: {  	s10 =	srdreg.scid;
	[tilespmem:$0x4170] =	vst v0  }
0x15: {  	s11 =	sand.u32 $0x1, s10;
	[tilespmem:$0x4160] =	vst v0  }
0x16: {  	s13 =	ssub.s32 $0x2, s11;
	[tilespmem:$0x4150] =	vst v0  }
0x17: {  	s8 =	sshll.u32 s8, $0x9;
	s10 =	sshll.u32 s11, $0x8;
	s14 =	sshrl.u32 s13, $0x1;
	[tilespmem:$0x4140] =	vst v0  }
0x18: {  	s8 =	sor.u32 s10, s8;
	s13 =	ssub.s32 s13, s14;
	[tilespmem:$0x4130] =	vst v0  }
0x19: {  	s10 =	sshrl.u32 s8, $0x3;
	s8 =	sshll.u32 s8, $0x3;
	s13 =	smax.u32 s13, $0x1;
	[tilespmem:$0x4120] =	vst v0  }
0x1a: {  	s10 =	sadd.s32 s10, s9;
	s12 =	sadd.s32 s8, s9;
	s15 =	sadd.s32 $0xFFFFFFFF, s13;
	[tilespmem:$0x4100] =	vst v0  }
0x1b: {  	s8 =	simm.s32 $0x2;
	s10 =	sadd.s32 $0xE00, s10;
	[tilespmem:$0x4110] =	vst v0;
	p1 =	sne.s32 s15, $0x0  }
0x1c: {  	[tilespmem:s2], [sflag:$0x2] =	stream.linear.gather [hbm4b:s10+s2], $0x100, $0x38;
	[tilespmem:$0x4400] =	vst v63  }
.Ltmp0:
0x1d: {  	s11 =	sshll.u32 s11, $0xA;
	_ =	swait.ge [sflag:s8], $0x100;
	(pc) =	sbr.rel @!p1 .LBB2_2-.Ltmp0, $4  }
0x1e: {  	s11 =	sadd.s32 s11, s9;
	s14 =	simm.s32 $0x1;
	[sflag:s8] =	ssyncset.done $0x0  }
0x1f: {  	s11 =	sadd.s32 $0x1600, s11;
	s9 =	simm.s32 $0x100;
	[sflag:s8] =	ssyncadd.s32 $0xFFFFFF00  }
0x20: {  	[tilespmem:s9], [sflag:$0x1] =	stream.indirect.gather [hbm4b:s6+s9], $0x40, s2, s9, $0xb8;
	[tilespmem:$0x4400] =	vst v63  }
0x21: {  	s13 =	sadd.s32 $0x1E00, s12;
	s12 =	simm.s32 $0x4100;
	_ =	swait.ge [sflag:s14], $0x4000  }
.LBB2_1:
0x22: {  	s15 =	sadd.s32 $0xFFFFFFFF, s15;
	[sflag:s14] =	ssyncset.done $0x0  }
0x23: {  	p1 =	sne.s32 s15, $0x0;
	[sflag:s14] =	ssyncadd.s32 $0xFFFFC000  }
0x24: {  	[hbm4b:s13+s2] =	stream.linear.scatter [tilespmem:s9], [sflag:$0x2], $0x4000, $0x38;
	[tilespmem:$0x4400] =	vst v63  }
0x25: {  	_ =	swait.ge [sflag:s8], $0x4000  }
0x26: {  	[sflag:s8] =	ssyncset.done $0x0  }
0x27: {  	[sflag:s8] =	ssyncadd.s32 $0xFFFFC000  }
0x28: {  	[bflag:$0x0] =	sbarrier.arrive $0xFFFF  }
0x29: {  	[spmem:s1] =	stream.indirect.scatter.add.f32 [tilespmem:s12], [sflag:$0x2], $0x1, s2, s9, $0xb8;
	[tilespmem:$0x4400] =	vst v63  }
0x2a: {  	_ =	swait.ge [sflag:s8], $0x100  }
0x2b: {  	[sflag:s8] =	ssyncset.done $0x0  }
0x2c: {  	[sflag:s8] =	ssyncadd.s32 $0xFFFFFF00  }
0x2d: {  	[bflag:$0x0] =	sbarrier.arrive $0xFFFF  }
0x2e: {  	[hbm:s11], [sflag:s5] =	dma.local @!p0 [spmem:s4], $0x400  }
0x2f: {  	_ =	swait.ge @!p0 [sflag:s3], $0x400  }
0x30: {  	[sflag:s3] =	ssyncset.done @!p0 $0x0  }
0x31: {  	[sflag:s3] =	ssyncadd.s32 @!p0 $0xFFFFFC00  }
0x32: {  	[spmem:s4], [sflag:s5] =	dma.local @!p0 [hbm:s7], $0x400  }
0x33: {  	_ =	swait.ge @!p0 [sflag:s3], $0x400  }
0x34: {  	[sflag:s3] =	ssyncset.done @!p0 $0x0  }
0x35: {  	[sflag:s3] =	ssyncadd.s32 @!p0 $0xFFFFFC00  }
0x36: {  	[tilespmem:$0x41F0] =	vst v0  }
0x37: {  	[tilespmem:$0x41E0] =	vst v0  }
0x38: {  	[tilespmem:$0x41D0] =	vst v0  }
0x39: {  	[tilespmem:$0x41C0] =	vst v0  }
0x3a: {  	[tilespmem:$0x41B0] =	vst v0  }
0x3b: {  	[tilespmem:$0x41A0] =	vst v0  }
0x3c: {  	[tilespmem:$0x4190] =	vst v0  }
0x3d: {  	[tilespmem:$0x4180] =	vst v0  }
0x3e: {  	[tilespmem:$0x4170] =	vst v0  }
0x3f: {  	[tilespmem:$0x4160] =	vst v0  }
0x40: {  	[tilespmem:$0x4150] =	vst v0  }
0x41: {  	[tilespmem:$0x4140] =	vst v0  }
0x42: {  	[tilespmem:$0x4130] =	vst v0  }
0x43: {  	[tilespmem:$0x4120] =	vst v0  }
0x44: {  	[tilespmem:$0x4100] =	vst v0  }
0x45: {  	[tilespmem:$0x4110] =	vst v0  }
0x46: {  	[tilespmem:s2], [sflag:$0x2] =	stream.linear.gather [hbm4b:s10+s2], $0x100, $0x38;
	[tilespmem:$0x4400] =	vst v63  }
.Ltmp1:
0x47: {  	_ =	swait.ge [sflag:s8], $0x100;
	(pc) =	sbr.rel @p1 .LBB2_1-.Ltmp1, $4  }
0x48: {  	[sflag:s8] =	ssyncset.done $0x0  }
0x49: {  	[sflag:s8] =	ssyncadd.s32 $0xFFFFFF00  }
0x4a: {  	[tilespmem:s9], [sflag:$0x1] =	stream.indirect.gather [hbm4b:s6+s9], $0x40, s2, s9, $0xb8;
	[tilespmem:$0x4400] =	vst v63  }
0x4b: {  	_ =	swait.ge [sflag:s14], $0x4000  }
.LBB2_2:
0x4c: {  	[sflag:s14] =	ssyncset.done $0x0  }
0x4d: {  	[sflag:s14] =	ssyncadd.s32 $0xFFFFC000  }
0x4e: {  	[hbm4b:s13+s2] =	stream.linear.scatter [tilespmem:s9], [sflag:$0x2], $0x4000, $0x38;
	[tilespmem:$0x4400] =	vst v63  }
0x4f: {  	_ =	swait.ge [sflag:s8], $0x4000  }
0x50: {  	[sflag:s8] =	ssyncset.done $0x0  }
0x51: {  	[sflag:s8] =	ssyncadd.s32 $0xFFFFC000  }
0x52: {  	[bflag:$0x0] =	sbarrier.arrive $0xFFFF  }
0x53: {  	[spmem:s1] =	stream.indirect.scatter.add.f32 [tilespmem:s12], [sflag:$0x2], $0x1, s2, s9, $0xb8;
	[tilespmem:$0x4400] =	vst v63  }
0x54: {  	_ =	swait.ge [sflag:s8], $0x100  }
0x55: {  	[sflag:s8] =	ssyncset.done $0x0  }
0x56: {  	[sflag:s8] =	ssyncadd.s32 $0xFFFFFF00  }
0x57: {  	[bflag:$0x0] =	sbarrier.arrive $0xFFFF  }
0x58: {  	[hbm:s11], [sflag:s5] =	dma.local @!p0 [spmem:s4], $0x400  }
0x59: {  	_ =	swait.ge @!p0 [sflag:s3], $0x400  }
0x5a: {  	[sflag:s3] =	ssyncset.done @!p0 $0x0  }
0x5b: {  	[sflag:s3] =	ssyncadd.s32 @!p0 $0xFFFFFC00  }
0x5c: {  	_ =	sfence.sel $0x180000  }
0x5d: {  	[bflag:$0x0] =	sbarrier.arrive $0xFFFF  }
0x5e: {  	_ =	strace $0x90000047  }
0x5f: {  	s0 =	sadd.s32 @!p0 $0x100000, s0;
	[bflag:$0x2] =	sbarrier.arrive $0xFFFF  }
0x60: {  	[sflag:s0] =	ssyncadd.tile.s32 @!p0 $0x1;
	_ =	shalt  }
.Lfunc_end2:
_tile_overlayer_lowered:
.L_overlay_start_2:
0x61: {  	(tag) =	ssettag $0x2  }
0x62: {  	s0 =	rddreg [dreg:$0x0];
	s2 =	stileid.u32  }
0x63: {  	s1 =	rddreg [dreg:$0x1];
	p0 =	sne.s32 s2, $0x0  }
0x64: {  	s3 =	rddreg [dreg:$0x2];
	[bflag:$0x3] =	sbarrier.arrive $0xFFFF;
	s2 =	simm.s32 @!p0 $0x1C02  }
0x65: {  	[timem:s3], [sflag:s2] =	dma.local @!p0 [hbm:s0], s1  }
0x66: {  	s0 =	simm.s32 @!p0 $0x2  }
0x67: {  	_ =	swait.ge @!p0 [sflag:s0], s1  }
0x68: {  	s1 =	ssub.s32 @!p0 $0x0, s1;
	[sflag:s0] =	ssyncset.done @!p0 $0x0  }
0x69: {  	[sflag:s0] =	ssyncadd.s32 @!p0 s1  }
0x6a: {  	[bflag:$0x3] =	sbarrier.arrive $0xFFFF  }
0x6b: {  	_ =	shalt  }

</sc_bundles>
